<compile_context>
chip_gen: v7x
topology: tpu7x:2x2x1
jax: 0.10.2.dev20260603
libtpu: 0.0.44.dev20260713+nightly
codegen_flags: <defaults>
</compile_context>

<pallas_src>
import functools

import jax
import jax.numpy as jnp
from jax import lax
from jax.experimental import pallas as pl
from jax.experimental.pallas import tpu as pltpu
from jax.experimental.pallas import tpu_sc as plsc

N = 16384
NB = 128
L = 16
NS = 16
NPW = N // NS
NR = NB // L
UF = 4


def _build():
    mesh = plsc.VectorSubcoreMesh(
        core_axis_name="c", subcore_axis_name="s", num_cores=1
    )

    @functools.partial(
        pl.kernel,
        out_type=(
            jax.ShapeDtypeStruct((L,), jnp.float32),
            jax.ShapeDtypeStruct((NS, 2 * NR, L), jnp.float32),
        ),
        mesh=mesh,
        compiler_params=pltpu.CompilerParams(needs_layout_passes=False),
        scratch_types=[
            pltpu.VMEM((NPW,), jnp.float32),
            pltpu.VMEM((NPW,), jnp.float32),
            pltpu.VMEM((NPW,), jnp.int32),
            pltpu.VMEM((NB,), jnp.float32),
            pltpu.VMEM((NB,), jnp.float32),
            pltpu.VMEM((2 * NR, L), jnp.float32),
            pltpu.VMEM((NS, 2 * NR, L), jnp.float32),
            pltpu.VMEM((L,), jnp.float32),
            pltpu.SemaphoreType.DMA,
        ],
    )
    def k(o_hbm, l_hbm, id_hbm, out_hbm, scr_hbm,
          o_v, l_v, id_v, acc, cnt, pak, buf, ov, sem):
        s = lax.axis_index("s")
        base = s * NPW
        co = pltpu.async_copy(o_hbm.at[pl.ds(base, NPW)], o_v, sem)
        cl = pltpu.async_copy(l_hbm.at[pl.ds(base, NPW)], l_v, sem)
        ci = pltpu.async_copy(id_hbm.at[pl.ds(base, NPW)], id_v, sem)

        zeros = jnp.zeros((L,), jnp.float32)
        ones = jnp.ones((L,), jnp.float32)

        def zero_body(j, carry):
            acc[pl.ds(j * L, L)] = zeros
            cnt[pl.ds(j * L, L)] = zeros
            return carry

        lax.fori_loop(0, NR, zero_body, 0)

        co.wait()
        cl.wait()
        ci.wait()

        def accum_body(i, carry):
            for u in range(UF):
                o = o_v[pl.ds(i * (UF * L) + u * L, L)]
                t = l_v[pl.ds(i * (UF * L) + u * L, L)]
                idx = id_v[pl.ds(i * (UF * L) + u * L, L)]
                d = o - t
                plsc.addupdate_scatter(acc, [idx], d * d)
                plsc.addupdate_scatter(cnt, [idx], ones)
            return carry

        lax.fori_loop(0, NPW // (UF * L), accum_body, 0)

        def pack_body(j, carry):
            pak[j, ...] = acc[pl.ds(j * L, L)]
            pak[NR + j, ...] = cnt[pl.ds(j * L, L)]
            return carry

        lax.fori_loop(0, NR, pack_body, 0)

        pltpu.sync_copy(pak, scr_hbm.at[s])
        plsc.subcore_barrier()

        @pl.when(s == 0)
        def _():
            pltpu.sync_copy(scr_hbm, buf)

            def chunk_body(j, carry):
                sum_mse, ndom = carry

                def row_body(r, c2):
                    ta, tc = c2
                    ta = ta + buf[r, j, ...]
                    tc = tc + buf[r, NR + j, ...]
                    return ta, tc

                ta, tc = lax.fori_loop(0, NS, row_body, (zeros, zeros))
                present = tc > 0.0
                safe = jnp.where(present, tc, ones)
                sum_mse = sum_mse + jnp.where(present, ta / safe, zeros)
                ndom = ndom + jnp.where(present, ones, zeros)
                return sum_mse, ndom

            sum_mse, ndom = lax.fori_loop(0, NR, chunk_body, (zeros, zeros))
            total = jnp.full((L,), jnp.sum(sum_mse), jnp.float32)
            nd = jnp.full((L,), jnp.sum(ndom), jnp.float32)
            ov[...] = total / nd
            pltpu.sync_copy(ov, out_hbm)

    return k


_KERNEL = _build()


@jax.jit
def kernel(outputs, labels, domain_ids):
    res, _ = _KERNEL(outputs, labels, domain_ids.astype(jnp.int32))
    return res[0]

# --- scband reference (transcript-rebuilt; emitter-appended) ---
"""Pipeline reference for scband-domain-averaged-mseloss-34196529611085 (READ-ONLY COPY).

The authoritative reference and input builder live on the scoring server;
editing this copy changes nothing except your own understanding.
"""

import jax, jax.numpy as jnp
import numpy as np


def setup_inputs(seed: int = 0) -> dict:
    key = jax.random.key(seed)
    k1, k2, k3 = jax.random.split(key, 3)
    outputs = jax.random.normal(k1, (16384,), dtype=jnp.float32)
    labels = jax.random.normal(k2, (16384,), dtype=jnp.float32)
    domain_ids = jax.random.randint(k3, (16384,), 0, 100, dtype=jnp.int64)
    return {"outputs": outputs, "labels": labels, "domain_ids": domain_ids}


def reference(outputs, labels, domain_ids):
    squared_errors = (outputs - labels) ** 2
    num_buckets = 100
    sum_se = jax.ops.segment_sum(squared_errors, domain_ids, num_segments=num_buckets)
    counts = jax.ops.segment_sum(jnp.ones_like(domain_ids, dtype=jnp.int64), domain_ids, num_segments=num_buckets)
    present = counts > 0
    safe_counts = jnp.where(present, counts, 1)
    mse_per_domain = jnp.where(present, sum_se / safe_counts.astype(squared_errors.dtype), jnp.zeros_like(sum_se))
    num_domains = jnp.sum(present).astype(squared_errors.dtype)
    loss = jnp.sum(mse_per_domain) / num_domains
    return loss

if __name__ == "__main__":
    import jax
    _d = setup_inputs()
    print(jax.jit(kernel)(*tuple(_d.values())))

</pallas_src>

<mosaic_0001>
#map = affine_map<(d0, d1) -> (0)>
#map1 = affine_map<(d0, d1) -> (0, 0, 0)>
module attributes {stable_mosaic.version = 14 : i64} {
  func.func @k(%arg0: i32, %arg1: i32, %arg2: memref<16384xf32, #tpu.memory_space<hbm>>, %arg3: memref<16384xf32, #tpu.memory_space<hbm>>, %arg4: memref<16384xi32, #tpu.memory_space<hbm>>, %arg5: memref<16xf32, #tpu.memory_space<hbm>>, %arg6: memref<16x16x16xf32, #tpu.memory_space<hbm>>, %arg7: memref<1024xf32, #tpu.memory_space<vmem>>, %arg8: memref<1024xf32, #tpu.memory_space<vmem>>, %arg9: memref<1024xi32, #tpu.memory_space<vmem>>, %arg10: memref<128xf32, #tpu.memory_space<vmem>>, %arg11: memref<128xf32, #tpu.memory_space<vmem>>, %arg12: memref<16x16xf32, #tpu.memory_space<vmem>>, %arg13: memref<16x16x16xf32, #tpu.memory_space<vmem>>, %arg14: memref<16xf32, #tpu.memory_space<vmem>>, %arg15: memref<!tpu.dma_semaphore, #tpu.memory_space<semaphore_mem>>) attributes {dimension_semantics = [#tpu.dimension_semantics<core_parallel>, #tpu.dimension_semantics<subcore_parallel>], iteration_bounds = array<i64: 1, 16>, scalar_prefetch = 0 : i64, scratch_operands = 9 : i64, tpu.core_type = #tpu.core_type<sc_vector_subcore>, window_params = [{transform_indices = #map}, {transform_indices = #map}, {transform_indices = #map}, {transform_indices = #map}, {transform_indices = #map1}]} {
    %mul3A = arith.constant 1024 : i32
    %mul3A_0 = arith.muli %arg1, %mul3A : i32
    %dma_start3A = tpu.memref_slice %arg2[%mul3A_0] : memref<16384xf32, #tpu.memory_space<hbm>> -> memref<1024xf32, #tpu.memory_space<hbm>>
    %dma_start3A_1 = tpu.memref_slice %arg2[%mul3A_0] : memref<16384xf32, #tpu.memory_space<hbm>> -> memref<1024xf32, #tpu.memory_space<hbm>>
    tpu.enqueue_dma source(%dma_start3A_1 : memref<1024xf32, #tpu.memory_space<hbm>>) target(%arg7 : memref<1024xf32, #tpu.memory_space<vmem>>) target_semaphore(%arg15 : memref<!tpu.dma_semaphore, #tpu.memory_space<semaphore_mem>>)
    %dma_start3A_2 = tpu.memref_slice %arg3[%mul3A_0] : memref<16384xf32, #tpu.memory_space<hbm>> -> memref<1024xf32, #tpu.memory_space<hbm>>
    %dma_start3A_3 = tpu.memref_slice %arg3[%mul3A_0] : memref<16384xf32, #tpu.memory_space<hbm>> -> memref<1024xf32, #tpu.memory_space<hbm>>
    tpu.enqueue_dma source(%dma_start3A_3 : memref<1024xf32, #tpu.memory_space<hbm>>) target(%arg8 : memref<1024xf32, #tpu.memory_space<vmem>>) target_semaphore(%arg15 : memref<!tpu.dma_semaphore, #tpu.memory_space<semaphore_mem>>)
    %dma_start3A_4 = tpu.memref_slice %arg4[%mul3A_0] : memref<16384xi32, #tpu.memory_space<hbm>> -> memref<1024xi32, #tpu.memory_space<hbm>>
    %dma_start3A_5 = tpu.memref_slice %arg4[%mul3A_0] : memref<16384xi32, #tpu.memory_space<hbm>> -> memref<1024xi32, #tpu.memory_space<hbm>>
    tpu.enqueue_dma source(%dma_start3A_5 : memref<1024xi32, #tpu.memory_space<hbm>>) target(%arg9 : memref<1024xi32, #tpu.memory_space<vmem>>) target_semaphore(%arg15 : memref<!tpu.dma_semaphore, #tpu.memory_space<semaphore_mem>>)
    %broadcast_in_dim3A = arith.constant 0.000000e+00 : f32
    %broadcast_in_dim3A_6 = vector.broadcast %broadcast_in_dim3A : f32 to vector<16xf32>
    %broadcast_in_dim3A_7 = arith.constant 1.000000e+00 : f32
    %broadcast_in_dim3A_8 = vector.broadcast %broadcast_in_dim3A_7 : f32 to vector<16xf32>
    %scan3A = arith.constant 0 : i32
    %scan3A_9 = arith.constant 0 : i32
    %scan3A_10 = arith.constant 8 : i32
    %scan3A_11 = arith.addi %scan3A_9, %scan3A_10 : i32
    %scan3A_12 = arith.constant 1 : i32
    scf.for %scan3A_33 = %scan3A_9 to %scan3A_11 step %scan3A_12  : i32 {
      %mul3A_34 = arith.constant 16 : i32
      %mul3A_35 = arith.muli %scan3A_33, %mul3A_34 : i32
      %swap3A = arith.index_cast %mul3A_35 : i32 to index
      %swap3A_36 = tpu.vector_load %arg10[%swap3A] {strides = array<i32>} : memref<128xf32, #tpu.memory_space<vmem>>, vector<16xf32>,
      tpu.vector_store %arg10[%swap3A], %broadcast_in_dim3A_6 {strides = array<i32>} : memref<128xf32, #tpu.memory_space<vmem>>, vector<16xf32>,
      %mul3A_37 = arith.constant 16 : i32
      %mul3A_38 = arith.muli %scan3A_33, %mul3A_37 : i32
      %swap3A_39 = arith.index_cast %mul3A_38 : i32 to index
      %swap3A_40 = tpu.vector_load %arg11[%swap3A_39] {strides = array<i32>} : memref<128xf32, #tpu.memory_space<vmem>>, vector<16xf32>,
      tpu.vector_store %arg11[%swap3A_39], %broadcast_in_dim3A_6 {strides = array<i32>} : memref<128xf32, #tpu.memory_space<vmem>>, vector<16xf32>,
    }
    %scan3A_13 = arith.constant 8 : i32
    %dma_wait3A = tpu.memref_slice %arg2[%mul3A_0] : memref<16384xf32, #tpu.memory_space<hbm>> -> memref<1024xf32, #tpu.memory_space<hbm>>
    %dma_wait3A_14 = tpu.memref_slice %arg2[%mul3A_0] : memref<16384xf32, #tpu.memory_space<hbm>> -> memref<1024xf32, #tpu.memory_space<hbm>>
    tpu.wait_dma2 semaphore(%arg15 : memref<!tpu.dma_semaphore, #tpu.memory_space<semaphore_mem>>) src(%dma_wait3A_14 : memref<1024xf32, #tpu.memory_space<hbm>>) dst(%arg7 : memref<1024xf32, #tpu.memory_space<vmem>>)
    %dma_wait3A_15 = tpu.memref_slice %arg3[%mul3A_0] : memref<16384xf32, #tpu.memory_space<hbm>> -> memref<1024xf32, #tpu.memory_space<hbm>>
    %dma_wait3A_16 = tpu.memref_slice %arg3[%mul3A_0] : memref<16384xf32, #tpu.memory_space<hbm>> -> memref<1024xf32, #tpu.memory_space<hbm>>
    tpu.wait_dma2 semaphore(%arg15 : memref<!tpu.dma_semaphore, #tpu.memory_space<semaphore_mem>>) src(%dma_wait3A_16 : memref<1024xf32, #tpu.memory_space<hbm>>) dst(%arg8 : memref<1024xf32, #tpu.memory_space<vmem>>)
    %dma_wait3A_17 = tpu.memref_slice %arg4[%mul3A_0] : memref<16384xi32, #tpu.memory_space<hbm>> -> memref<1024xi32, #tpu.memory_space<hbm>>
    %dma_wait3A_18 = tpu.memref_slice %arg4[%mul3A_0] : memref<16384xi32, #tpu.memory_space<hbm>> -> memref<1024xi32, #tpu.memory_space<hbm>>
    tpu.wait_dma2 semaphore(%arg15 : memref<!tpu.dma_semaphore, #tpu.memory_space<semaphore_mem>>) src(%dma_wait3A_18 : memref<1024xi32, #tpu.memory_space<hbm>>) dst(%arg9 : memref<1024xi32, #tpu.memory_space<vmem>>)
    %scan3A_19 = arith.constant 0 : i32
    %scan3A_20 = arith.constant 0 : i32
    %scan3A_21 = arith.constant 16 : i32
    %scan3A_22 = arith.addi %scan3A_20, %scan3A_21 : i32
    %scan3A_23 = arith.constant 1 : i32
    scf.for %scan3A_33 = %scan3A_20 to %scan3A_22 step %scan3A_23  : i32 {
      %mul3A_34 = arith.constant 64 : i32
      %mul3A_35 = arith.muli %scan3A_33, %mul3A_34 : i32
      %add3A = arith.constant 0 : i32
      %add3A_36 = arith.addi %mul3A_35, %add3A : i32
      %get3A = arith.index_cast %add3A_36 : i32 to index
      %get3A_37 = tpu.vector_load %arg7[%get3A] {strides = array<i32>} : memref<1024xf32, #tpu.memory_space<vmem>>, vector<16xf32>,
      %mul3A_38 = arith.constant 64 : i32
      %mul3A_39 = arith.muli %scan3A_33, %mul3A_38 : i32
      %add3A_40 = arith.constant 0 : i32
      %add3A_41 = arith.addi %mul3A_39, %add3A_40 : i32
      %get3A_42 = arith.index_cast %add3A_41 : i32 to index
      %get3A_43 = tpu.vector_load %arg8[%get3A_42] {strides = array<i32>} : memref<1024xf32, #tpu.memory_space<vmem>>, vector<16xf32>,
      %mul3A_44 = arith.constant 64 : i32
      %mul3A_45 = arith.muli %scan3A_33, %mul3A_44 : i32
      %add3A_46 = arith.constant 0 : i32
      %add3A_47 = arith.addi %mul3A_45, %add3A_46 : i32
      %get3A_48 = arith.index_cast %add3A_47 : i32 to index
      %get3A_49 = tpu.vector_load %arg9[%get3A_48] {strides = array<i32>} : memref<1024xi32, #tpu.memory_space<vmem>>, vector<16xi32>,
      %sub3A = arith.subf %get3A_37, %get3A_43 : vector<16xf32>
      %mul3A_50 = arith.mulf %sub3A, %sub3A : vector<16xf32>
      tpu.vector_store_idx %arg10[%get3A_49], %mul3A_50 {add = true} : memref<128xf32, #tpu.memory_space<vmem>>[vector<16xi32>], vector<16xf32>,
      tpu.vector_store_idx %arg11[%get3A_49], %broadcast_in_dim3A_8 {add = true} : memref<128xf32, #tpu.memory_space<vmem>>[vector<16xi32>], vector<16xf32>,
      %mul3A_51 = arith.constant 64 : i32
      %mul3A_52 = arith.muli %scan3A_33, %mul3A_51 : i32
      %add3A_53 = arith.constant 16 : i32
      %add3A_54 = arith.addi %mul3A_52, %add3A_53 : i32
      %get3A_55 = arith.index_cast %add3A_54 : i32 to index
      %get3A_56 = tpu.vector_load %arg7[%get3A_55] {strides = array<i32>} : memref<1024xf32, #tpu.memory_space<vmem>>, vector<16xf32>,
      %mul3A_57 = arith.constant 64 : i32
      %mul3A_58 = arith.muli %scan3A_33, %mul3A_57 : i32
      %add3A_59 = arith.constant 16 : i32
      %add3A_60 = arith.addi %mul3A_58, %add3A_59 : i32
      %get3A_61 = arith.index_cast %add3A_60 : i32 to index
      %get3A_62 = tpu.vector_load %arg8[%get3A_61] {strides = array<i32>} : memref<1024xf32, #tpu.memory_space<vmem>>, vector<16xf32>,
      %mul3A_63 = arith.constant 64 : i32
      %mul3A_64 = arith.muli %scan3A_33, %mul3A_63 : i32
      %add3A_65 = arith.constant 16 : i32
      %add3A_66 = arith.addi %mul3A_64, %add3A_65 : i32
      %get3A_67 = arith.index_cast %add3A_66 : i32 to index
      %get3A_68 = tpu.vector_load %arg9[%get3A_67] {strides = array<i32>} : memref<1024xi32, #tpu.memory_space<vmem>>, vector<16xi32>,
      %sub3A_69 = arith.subf %get3A_56, %get3A_62 : vector<16xf32>
      %mul3A_70 = arith.mulf %sub3A_69, %sub3A_69 : vector<16xf32>
      tpu.vector_store_idx %arg10[%get3A_68], %mul3A_70 {add = true} : memref<128xf32, #tpu.memory_space<vmem>>[vector<16xi32>], vector<16xf32>,
      tpu.vector_store_idx %arg11[%get3A_68], %broadcast_in_dim3A_8 {add = true} : memref<128xf32, #tpu.memory_space<vmem>>[vector<16xi32>], vector<16xf32>,
      %mul3A_71 = arith.constant 64 : i32
      %mul3A_72 = arith.muli %scan3A_33, %mul3A_71 : i32
      %add3A_73 = arith.constant 32 : i32
      %add3A_74 = arith.addi %mul3A_72, %add3A_73 : i32
      %get3A_75 = arith.index_cast %add3A_74 : i32 to index
      %get3A_76 = tpu.vector_load %arg7[%get3A_75] {strides = array<i32>} : memref<1024xf32, #tpu.memory_space<vmem>>, vector<16xf32>,
      %mul3A_77 = arith.constant 64 : i32
      %mul3A_78 = arith.muli %scan3A_33, %mul3A_77 : i32
      %add3A_79 = arith.constant 32 : i32
      %add3A_80 = arith.addi %mul3A_78, %add3A_79 : i32
      %get3A_81 = arith.index_cast %add3A_80 : i32 to index
      %get3A_82 = tpu.vector_load %arg8[%get3A_81] {strides = array<i32>} : memref<1024xf32, #tpu.memory_space<vmem>>, vector<16xf32>,
      %mul3A_83 = arith.constant 64 : i32
      %mul3A_84 = arith.muli %scan3A_33, %mul3A_83 : i32
      %add3A_85 = arith.constant 32 : i32
      %add3A_86 = arith.addi %mul3A_84, %add3A_85 : i32
      %get3A_87 = arith.index_cast %add3A_86 : i32 to index
      %get3A_88 = tpu.vector_load %arg9[%get3A_87] {strides = array<i32>} : memref<1024xi32, #tpu.memory_space<vmem>>, vector<16xi32>,
      %sub3A_89 = arith.subf %get3A_76, %get3A_82 : vector<16xf32>
      %mul3A_90 = arith.mulf %sub3A_89, %sub3A_89 : vector<16xf32>
      tpu.vector_store_idx %arg10[%get3A_88], %mul3A_90 {add = true} : memref<128xf32, #tpu.memory_space<vmem>>[vector<16xi32>], vector<16xf32>,
      tpu.vector_store_idx %arg11[%get3A_88], %broadcast_in_dim3A_8 {add = true} : memref<128xf32, #tpu.memory_space<vmem>>[vector<16xi32>], vector<16xf32>,
      %mul3A_91 = arith.constant 64 : i32
      %mul3A_92 = arith.muli %scan3A_33, %mul3A_91 : i32
      %add3A_93 = arith.constant 48 : i32
      %add3A_94 = arith.addi %mul3A_92, %add3A_93 : i32
      %get3A_95 = arith.index_cast %add3A_94 : i32 to index
      %get3A_96 = tpu.vector_load %arg7[%get3A_95] {strides = array<i32>} : memref<1024xf32, #tpu.memory_space<vmem>>, vector<16xf32>,
      %mul3A_97 = arith.constant 64 : i32
      %mul3A_98 = arith.muli %scan3A_33, %mul3A_97 : i32
      %add3A_99 = arith.constant 48 : i32
      %add3A_100 = arith.addi %mul3A_98, %add3A_99 : i32
      %get3A_101 = arith.index_cast %add3A_100 : i32 to index
      %get3A_102 = tpu.vector_load %arg8[%get3A_101] {strides = array<i32>} : memref<1024xf32, #tpu.memory_space<vmem>>, vector<16xf32>,
      %mul3A_103 = arith.constant 64 : i32
      %mul3A_104 = arith.muli %scan3A_33, %mul3A_103 : i32
      %add3A_105 = arith.constant 48 : i32
      %add3A_106 = arith.addi %mul3A_104, %add3A_105 : i32
      %get3A_107 = arith.index_cast %add3A_106 : i32 to index
      %get3A_108 = tpu.vector_load %arg9[%get3A_107] {strides = array<i32>} : memref<1024xi32, #tpu.memory_space<vmem>>, vector<16xi32>,
      %sub3A_109 = arith.subf %get3A_96, %get3A_102 : vector<16xf32>
      %mul3A_110 = arith.mulf %sub3A_109, %sub3A_109 : vector<16xf32>
      tpu.vector_store_idx %arg10[%get3A_108], %mul3A_110 {add = true} : memref<128xf32, #tpu.memory_space<vmem>>[vector<16xi32>], vector<16xf32>,
      tpu.vector_store_idx %arg11[%get3A_108], %broadcast_in_dim3A_8 {add = true} : memref<128xf32, #tpu.memory_space<vmem>>[vector<16xi32>], vector<16xf32>,
    }
    %scan3A_24 = arith.constant 16 : i32
    %scan3A_25 = arith.constant 0 : i32
    %scan3A_26 = arith.constant 0 : i32
    %scan3A_27 = arith.constant 8 : i32
    %scan3A_28 = arith.addi %scan3A_26, %scan3A_27 : i32
    %scan3A_29 = arith.constant 1 : i32
    scf.for %scan3A_33 = %scan3A_26 to %scan3A_28 step %scan3A_29  : i32 {
      %mul3A_34 = arith.constant 16 : i32
      %mul3A_35 = arith.muli %scan3A_33, %mul3A_34 : i32
      %get3A = arith.index_cast %mul3A_35 : i32 to index
      %get3A_36 = tpu.vector_load %arg10[%get3A] {strides = array<i32>} : memref<128xf32, #tpu.memory_space<vmem>>, vector<16xf32>,
      %swap3A = arith.index_cast %scan3A_33 : i32 to index
      %swap3A_37 = arith.constant 0 : index
      %swap3A_38 = tpu.vector_load %arg12[%swap3A, %swap3A_37] {strides = array<i32>} : memref<16x16xf32, #tpu.memory_space<vmem>>, vector<16xf32>,
      tpu.vector_store %arg12[%swap3A, %swap3A_37], %get3A_36 {strides = array<i32>} : memref<16x16xf32, #tpu.memory_space<vmem>>, vector<16xf32>,
      %mul3A_39 = arith.constant 16 : i32
      %mul3A_40 = arith.muli %scan3A_33, %mul3A_39 : i32
      %get3A_41 = arith.index_cast %mul3A_40 : i32 to index
      %get3A_42 = tpu.vector_load %arg11[%get3A_41] {strides = array<i32>} : memref<128xf32, #tpu.memory_space<vmem>>, vector<16xf32>,
      %add3A = arith.constant 8 : i32
      %add3A_43 = arith.addi %add3A, %scan3A_33 : i32
      %swap3A_44 = arith.index_cast %add3A_43 : i32 to index
      %swap3A_45 = arith.constant 0 : index
      %swap3A_46 = tpu.vector_load %arg12[%swap3A_44, %swap3A_45] {strides = array<i32>} : memref<16x16xf32, #tpu.memory_space<vmem>>, vector<16xf32>,
      tpu.vector_store %arg12[%swap3A_44, %swap3A_45], %get3A_42 {strides = array<i32>} : memref<16x16xf32, #tpu.memory_space<vmem>>, vector<16xf32>,
    }
    %scan3A_30 = arith.constant 8 : i32
    "tpu.region"() ({
      %run_scoped3A = tpu.sem_alloc : memref<!tpu.dma_semaphore, #tpu.memory_space<semaphore_mem>>
      %dma_start3A_33 = arith.constant 0 : i32
      %dma_start3A_34 = arith.constant 0 : i32
      %dma_start3A_35 = tpu.memref_slice %arg6[%arg1, %dma_start3A_33, %dma_start3A_34] : memref<16x16x16xf32, #tpu.memory_space<hbm>> -> memref<1x16x16xf32, #tpu.memory_space<hbm>>
      %dma_start3A_36 = tpu.memref_squeeze %dma_start3A_35 : memref<1x16x16xf32, #tpu.memory_space<hbm>> -> memref<16x16xf32, #tpu.memory_space<hbm>>
      %dma_start3A_37 = arith.constant 0 : i32
      %dma_start3A_38 = arith.constant 0 : i32
      %dma_start3A_39 = tpu.memref_slice %arg6[%arg1, %dma_start3A_37, %dma_start3A_38] : memref<16x16x16xf32, #tpu.memory_space<hbm>> -> memref<1x16x16xf32, #tpu.memory_space<hbm>>
      %dma_start3A_40 = tpu.memref_squeeze %dma_start3A_39 : memref<1x16x16xf32, #tpu.memory_space<hbm>> -> memref<16x16xf32, #tpu.memory_space<hbm>>
      tpu.enqueue_dma source(%arg12 : memref<16x16xf32, #tpu.memory_space<vmem>>) target(%dma_start3A_40 : memref<16x16xf32, #tpu.memory_space<hbm>>) target_semaphore(%run_scoped3A : memref<!tpu.dma_semaphore, #tpu.memory_space<semaphore_mem>>)
      %dma_wait3A_41 = arith.constant 0 : i32
      %dma_wait3A_42 = arith.constant 0 : i32
      %dma_wait3A_43 = tpu.memref_slice %arg6[%arg1, %dma_wait3A_41, %dma_wait3A_42] : memref<16x16x16xf32, #tpu.memory_space<hbm>> -> memref<1x16x16xf32, #tpu.memory_space<hbm>>
      %dma_wait3A_44 = tpu.memref_squeeze %dma_wait3A_43 : memref<1x16x16xf32, #tpu.memory_space<hbm>> -> memref<16x16xf32, #tpu.memory_space<hbm>>
      %dma_wait3A_45 = arith.constant 0 : i32
      %dma_wait3A_46 = arith.constant 0 : i32
      %dma_wait3A_47 = tpu.memref_slice %arg6[%arg1, %dma_wait3A_45, %dma_wait3A_46] : memref<16x16x16xf32, #tpu.memory_space<hbm>> -> memref<1x16x16xf32, #tpu.memory_space<hbm>>
      %dma_wait3A_48 = tpu.memref_squeeze %dma_wait3A_47 : memref<1x16x16xf32, #tpu.memory_space<hbm>> -> memref<16x16xf32, #tpu.memory_space<hbm>>
      tpu.wait_dma2 semaphore(%run_scoped3A : memref<!tpu.dma_semaphore, #tpu.memory_space<semaphore_mem>>) src(%arg12 : memref<16x16xf32, #tpu.memory_space<vmem>>) dst(%dma_wait3A_48 : memref<16x16xf32, #tpu.memory_space<hbm>>)
      tpu.yield
    }) : () -> ()
    %barrier3A = arith.constant 0 : index
    tpu.barrier barrier_id(%barrier3A)
    %eq3A = arith.constant 0 : i32
    %eq3A_31 = arith.cmpi eq, %arg1, %eq3A : i32
    %convert_element_type3A = arith.extui %eq3A_31 : i1 to i32
    %cond3A = arith.constant 0 : i32
    %cond3A_32 = arith.cmpi ne, %convert_element_type3A, %cond3A : i32
    scf.if %cond3A_32 {
      "tpu.region"() ({
        %run_scoped3A = tpu.sem_alloc : memref<!tpu.dma_semaphore, #tpu.memory_space<semaphore_mem>>
        tpu.enqueue_dma source(%arg6 : memref<16x16x16xf32, #tpu.memory_space<hbm>>) target(%arg13 : memref<16x16x16xf32, #tpu.memory_space<vmem>>) target_semaphore(%run_scoped3A : memref<!tpu.dma_semaphore, #tpu.memory_space<semaphore_mem>>)
        tpu.wait_dma2 semaphore(%run_scoped3A : memref<!tpu.dma_semaphore, #tpu.memory_space<semaphore_mem>>) src(%arg6 : memref<16x16x16xf32, #tpu.memory_space<hbm>>) dst(%arg13 : memref<16x16x16xf32, #tpu.memory_space<vmem>>)
        tpu.yield
      }) : () -> ()
      %scan3A_33 = arith.constant 0 : i32
      %scan3A_34 = arith.constant 8 : i32
      %scan3A_35 = arith.addi %scan3A_33, %scan3A_34 : i32
      %scan3A_36 = arith.constant 1 : i32
      %scan3A_37:2 = scf.for %scan3A_49 = %scan3A_33 to %scan3A_35 step %scan3A_36 iter_args(%scan3A_50 = %broadcast_in_dim3A_6, %scan3A_51 = %broadcast_in_dim3A_6) -> (vector<16xf32>, vector<16xf32>)  : i32 {
        %scan3A_52 = arith.constant 0 : i32
        %scan3A_53 = arith.constant 16 : i32
        %scan3A_54 = arith.addi %scan3A_52, %scan3A_53 : i32
        %scan3A_55 = arith.constant 1 : i32
        %scan3A_56:2 = scf.for %scan3A_64 = %scan3A_52 to %scan3A_54 step %scan3A_55 iter_args(%scan3A_65 = %broadcast_in_dim3A_6, %scan3A_66 = %broadcast_in_dim3A_6) -> (vector<16xf32>, vector<16xf32>)  : i32 {
          %get3A = arith.index_cast %scan3A_64 : i32 to index
          %get3A_67 = arith.index_cast %scan3A_49 : i32 to index
          %get3A_68 = arith.constant 0 : index
          %get3A_69 = tpu.vector_load %arg13[%get3A, %get3A_67, %get3A_68] {strides = array<i32>} : memref<16x16x16xf32, #tpu.memory_space<vmem>>, vector<16xf32>,
          %add3A_70 = arith.addf %scan3A_65, %get3A_69 : vector<16xf32>
          %add3A_71 = arith.constant 8 : i32
          %add3A_72 = arith.addi %add3A_71, %scan3A_49 : i32
          %get3A_73 = arith.index_cast %scan3A_64 : i32 to index
          %get3A_74 = arith.index_cast %add3A_72 : i32 to index
          %get3A_75 = arith.constant 0 : index
          %get3A_76 = tpu.vector_load %arg13[%get3A_73, %get3A_74, %get3A_75] {strides = array<i32>} : memref<16x16x16xf32, #tpu.memory_space<vmem>>, vector<16xf32>,
          %add3A_77 = arith.addf %scan3A_66, %get3A_76 : vector<16xf32>
          scf.yield %add3A_70, %add3A_77 : vector<16xf32>, vector<16xf32>
        }
        %scan3A_57 = arith.constant 16 : i32
        %gt3A = arith.constant 0.000000e+00 : f32
        %gt3A_58 = vector.broadcast %gt3A : f32 to vector<16xf32>
        %gt3A_59 = arith.cmpf ogt, %scan3A_56#1, %gt3A_58 : vector<16xf32>
        %select_n3A = arith.select %gt3A_59, %scan3A_56#1, %broadcast_in_dim3A_8 : vector<16xi1>, vector<16xf32>
        %div3A_60 = arith.divf %scan3A_56#0, %select_n3A : vector<16xf32>
        %select_n3A_61 = arith.select %gt3A_59, %div3A_60, %broadcast_in_dim3A_6 : vector<16xi1>, vector<16xf32>
        %add3A = arith.addf %scan3A_50, %select_n3A_61 : vector<16xf32>
        %select_n3A_62 = arith.select %gt3A_59, %broadcast_in_dim3A_8, %broadcast_in_dim3A_6 : vector<16xi1>, vector<16xf32>
        %add3A_63 = arith.addf %scan3A_51, %select_n3A_62 : vector<16xf32>
        scf.yield %add3A, %add3A_63 : vector<16xf32>, vector<16xf32>
      }
      %scan3A_38 = arith.constant 8 : i32
      %reduce_sum3A = arith.constant true
      %reduce_sum3A_39 = vector.broadcast %reduce_sum3A : i1 to vector<16xi1>
      %reduce_sum3A_40 = tpu.scan <sum>, %scan3A_37#0 masked %reduce_sum3A_39 : vector<16xf32>, vector<16xi1> -> vector<16xf32>
      %reduce_sum3A_41 = vector.extract %reduce_sum3A_40[15] : f32 from vector<16xf32>
      %broadcast_in_dim3A_42 = vector.broadcast %reduce_sum3A_41 : f32 to vector<16xf32>
      %reduce_sum3A_43 = arith.constant true
      %reduce_sum3A_44 = vector.broadcast %reduce_sum3A_43 : i1 to vector<16xi1>
      %reduce_sum3A_45 = tpu.scan <sum>, %scan3A_37#1 masked %reduce_sum3A_44 : vector<16xf32>, vector<16xi1> -> vector<16xf32>
      %reduce_sum3A_46 = vector.extract %reduce_sum3A_45[15] : f32 from vector<16xf32>
      %broadcast_in_dim3A_47 = vector.broadcast %reduce_sum3A_46 : f32 to vector<16xf32>
      %div3A = arith.divf %broadcast_in_dim3A_42, %broadcast_in_dim3A_47 : vector<16xf32>
      %swap3A = arith.constant 0 : index
      %swap3A_48 = tpu.vector_load %arg14[%swap3A] {strides = array<i32>} : memref<16xf32, #tpu.memory_space<vmem>>, vector<16xf32>,
      tpu.vector_store %arg14[%swap3A], %div3A {strides = array<i32>} : memref<16xf32, #tpu.memory_space<vmem>>, vector<16xf32>,
      "tpu.region"() ({
        %run_scoped3A = tpu.sem_alloc : memref<!tpu.dma_semaphore, #tpu.memory_space<semaphore_mem>>
        tpu.enqueue_dma source(%arg14 : memref<16xf32, #tpu.memory_space<vmem>>) target(%arg5 : memref<16xf32, #tpu.memory_space<hbm>>) target_semaphore(%run_scoped3A : memref<!tpu.dma_semaphore, #tpu.memory_space<semaphore_mem>>)
        tpu.wait_dma2 semaphore(%run_scoped3A : memref<!tpu.dma_semaphore, #tpu.memory_space<semaphore_mem>>) src(%arg14 : memref<16xf32, #tpu.memory_space<vmem>>) dst(%arg5 : memref<16xf32, #tpu.memory_space<hbm>>)
        tpu.yield
      }) : () -> ()
    } else {
    }
    return
  }
}

</mosaic_0001>

<sc_bundles>
// kernel: kernel.3.cloned.1.call-start
scs
__scs_entry_jumppad:
0x0: {  	(pc) =	sbr.rel $0x88, $3  }
0x1: {  	(tag) =	ssettag $0x0;
	lr =	simm.s32 $0x1  }
0x2: {  	[smem:$0x3F9E] =	sst lr;
	_ =	strace $0xD0000000  }
0x3: {  	_ = 	snop  }
0x4: {  	_ = 	snop  }
0x5: {  	_ = 	snop  }
0x6: {  	_ = 	snop  }
0x7: {  	_ = 	snop  }
__scs_overlays_trampoline_lowered:
0x8: {  	[smem:$0x3FAD] =	sst s0  }
0x9: {  	[smem:$0x3FAE] =	sst s1  }
0xa: {  	[smem:$0x3FAF] =	sst s2  }
0xb: {  	[smem:$0x3FB0] =	sst s3  }
0xc: {  	[smem:$0x3FB1] =	sst s4  }
0xd: {  	[smem:$0x3FB2] =	sst s5  }
0xe: {  	[smem:$0x3FB3] =	sst s6  }
0xf: {  	[smem:$0x3FB4] =	sst s7  }
0x10: {  	[smem:$0x3FB5] =	sst s8  }
0x11: {  	[smem:$0x3FB6] =	sst s9;
	s0 =	simm.s32 @!p0 $0x0  }
0x12: {  	s1 =	sld [smem:$0x3F9C];
	s0 =	simm.s32 @p0 $0x1  }
0x13: {  	[smem:$0x3FB7] =	sst s0;
	s0 =	simm.s32 @!p1 $0x0  }
0x14: {  	s2 =	sld [smem:$0x3F9B];
	s0 =	simm.s32 @p1 $0x1  }
0x15: {  	[smem:$0x3FB8] =	sst s0;
	s0 =	simm.s32 @!p2 $0x0  }
0x16: {  	s3 =	sld [smem:$0x3FDB];
	s0 =	simm.s32 @p2 $0x1  }
0x17: {  	s4 =	simm.s32 $0x1BF5;
	[smem:$0x3FBA] =	sst s0  }
0x18: {  	s0 =	sld [smem:$0x3F9D];
	_ =	swait.ge [sflag:s4], $0x0  }
0x19: {  	s7 =	sld [smem:$0x3F9E]  }
0x1a: {  	s8 =	sadd.s32 $0xFFFFE003, lr  }
0x1b: {  	s9 =	sadd.s32 $0xFFFFFEF7, lr;
	s5 =	simm.s32 $0xFFFFFFFF;
	p2 =	slt.u32 s8, $0xFFFFF086  }
0x1c: {  	p1 =	slt.u32 s9, $0xF7A;
	s5 =	simm.s32 @!p2 $0x0  }
0x1d: {  	s5 =	simm.s32 @p1 $0x1;
	p0 =	seq.s32 s7, s2  }
0x1e: {  	s7 =	smul.u32 @!p0 $0xF7A, s2;
	p2 =	seq.s32 @!p0 s5, $0x0  }
0x1f: {  	s9 =	smul.u32 $0xF7A, s1;
	s8 =	simm.s32 @!p0 $0x1BF5;
	p2 =	por !p2, p0  }
0x20: {  	[sflag:s8] =	ssyncset.s32 @!p0 $0xFFFFF086;
	s6 =	sadd.s32 @!p0 s3, s7;
	s7 =	simm.s32 @!p0 $0x108  }
0x21: {  	s3 =	sadd.s32 s3, s9;
	s6 =	sadd.s32 @!p0 $0x88, s6;
	s7 =	simm.s32 @p2 $0x1082  }
0x22: {  	[simem:s7], [sflag:s8] =	dma.local @!p0 [hbm:s6], $0xF7A  }
0x23: {  	s9 =	sor.u32 $0xD0000000, s2;
	s6 =	simm.s32 $0x108;
	_ =	swait.ge @!p0 [sflag:s8], $0x0  }
0x24: {  	s3 =	sadd.s32 $0x88, s3;
	s6 =	simm.s32 @!p1 $0x1082;
	[sflag:s4] =	ssyncset.s32 $0xFFFFF086  }
0x25: {  	[simem:s6], [sflag:s4] =	dma.local [hbm:s3], $0xF7A  }
0x26: {  	[smem:$0x3F9E] =	sst s1;
	(tag) =	ssettag s2;
	_ =	strace s9  }
0x27: {  	s1 =	sld [smem:$0x3FAE]  }
0x28: {  	s2 =	sld [smem:$0x3FAF]  }
0x29: {  	s4 =	sld [smem:$0x3FB1]  }
0x2a: {  	p0 =	seq.s32 s5, $0x0;
	s5 =	sld [smem:$0x3FB2]  }
0x2b: {  	s6 =	sld [smem:$0x3FB3]  }
0x2c: {  	s7 =	sld [smem:$0x3FB4]  }
0x2d: {  	s3 =	simm.s32 $0x108;
	s8 =	sld [smem:$0x3FB5]  }
0x2e: {  	s3 =	simm.s32 @!p0 $0x1082;
	s9 =	sld [smem:$0x3FB6]  }
0x2f: {  	lr =	sadd.s32 s0, s3;
	s0 =	sld [smem:$0x3FAD]  }
0x30: {  	s3 =	sld [smem:$0x3FB0]  }
0x31: {  	[smem:$0x3FB9] =	sst s10  }
0x32: {  	s10 =	sld [smem:$0x3FB7];
	_ =	sdelay $0x3  }
0x33: {  	p0 =	seq.s32 s10, $0x1;
	s10 =	sld [smem:$0x3FB9];
	_ =	sdelay $0x3  }
0x34: {  	[smem:$0x3FB9] =	sst s10  }
0x35: {  	s10 =	sld [smem:$0x3FB8];
	_ =	sdelay $0x3  }
0x36: {  	p1 =	seq.s32 s10, $0x1;
	s10 =	sld [smem:$0x3FB9];
	_ =	sdelay $0x3  }
0x37: {  	[smem:$0x3FB9] =	sst s10  }
0x38: {  	s10 =	sld [smem:$0x3FBA]  }
0x39: {  	_ = 	snop;
	(pc) =	sbr.ind lr, $3  }
0x3a: {  	_ = 	snop  }
0x3b: {  	_ = 	snop  }
0x3c: {  	p2 =	seq.s32 s10, $0x1;
	s10 =	sld [smem:$0x3FB9]  }
0x3d: {  	_ =	shalt  }
0x3e: {  	_ =	shalt  }
0x3f: {  	_ =	shalt  }
0x40: {  	_ =	shalt  }
0x41: {  	_ =	shalt  }
0x42: {  	_ =	shalt  }
0x43: {  	_ =	shalt  }
0x44: {  	_ =	shalt  }
0x45: {  	_ =	shalt  }
0x46: {  	_ =	shalt  }
0x47: {  	_ =	shalt  }
0x48: {  	_ =	shalt  }
0x49: {  	_ =	shalt  }
0x4a: {  	_ =	shalt  }
0x4b: {  	_ =	shalt  }
0x4c: {  	_ =	shalt  }
0x4d: {  	_ =	shalt  }
0x4e: {  	_ =	shalt  }
0x4f: {  	_ =	shalt  }
0x50: {  	_ =	shalt  }
0x51: {  	_ =	shalt  }
0x52: {  	_ =	shalt  }
0x53: {  	_ =	shalt  }
0x54: {  	_ =	shalt  }
0x55: {  	_ =	shalt  }
0x56: {  	_ =	shalt  }
0x57: {  	_ =	shalt  }
0x58: {  	_ =	shalt  }
0x59: {  	_ =	shalt  }
0x5a: {  	_ =	shalt  }
0x5b: {  	_ =	shalt  }
0x5c: {  	_ =	shalt  }
0x5d: {  	_ =	shalt  }
0x5e: {  	_ =	shalt  }
0x5f: {  	_ =	shalt  }
0x60: {  	_ =	shalt  }
0x61: {  	_ =	shalt  }
0x62: {  	_ =	shalt  }
0x63: {  	_ =	shalt  }
0x64: {  	_ =	shalt  }
0x65: {  	_ =	shalt  }
0x66: {  	_ =	shalt  }
0x67: {  	_ =	shalt  }
0x68: {  	_ =	shalt  }
0x69: {  	_ =	shalt  }
0x6a: {  	_ =	shalt  }
0x6b: {  	_ =	shalt  }
0x6c: {  	_ =	shalt  }
0x6d: {  	_ =	shalt  }
0x6e: {  	_ =	shalt  }
0x6f: {  	_ =	shalt  }
0x70: {  	_ =	shalt  }
0x71: {  	_ =	shalt  }
0x72: {  	_ =	shalt  }
0x73: {  	_ =	shalt  }
0x74: {  	_ =	shalt  }
0x75: {  	_ =	shalt  }
0x76: {  	_ =	shalt  }
0x77: {  	_ =	shalt  }
0x78: {  	_ =	shalt  }
0x79: {  	_ =	shalt  }
0x7a: {  	_ =	shalt  }
0x7b: {  	_ =	shalt  }
0x7c: {  	_ =	shalt  }
0x7d: {  	_ =	shalt  }
0x7e: {  	_ =	shalt  }
0x7f: {  	_ =	shalt  }
0x80: {  	_ =	shalt  }
0x81: {  	_ =	shalt  }
0x82: {  	_ =	shalt  }
0x83: {  	_ =	shalt  }
0x84: {  	_ =	shalt  }
0x85: {  	_ =	shalt  }
0x86: {  	_ =	shalt  }
0x87: {  	_ =	shalt  }
.Lfunc_end0:
.L_simem_size_0:
called_computation_lowered:
.L_overlay_start_0:
0x88: {  	s0 =	sld [smem:$0x3FD9]  }
0x89: {  	s1 =	sld [smem:$0x3FFE];
	_ =	sdelay $0x3  }
0x8a: {  	s0 =	sadd.s32 s1, s0  }
0x8b: {  	[smem:$0x3FC5] =	sst s0  }
0x8c: {  	_ = 	snop  }
0x8d: {  	s0 =	sld [smem:$0x3FC9]  }
0x8e: {  	s16 =	sld [smem:$0x3FC8]  }
0x8f: {  	s2 =	sld [smem:$0x3FC7]  }
0x90: {  	s3 =	sld [smem:$0x3FD0];
	(tm) =	ssettm $0x1  }
0x91: {  	s4 =	sld [smem:$0x3FFB];
	_ =	sdelay $0x3  }
0x92: {  	_ =	strace s4  }
0x93: {  	s4 =	sld [smem:$0x3FFC];
	_ =	sdelay $0x3  }
0x94: {  	_ =	strace s4  }
0x95: {  	s4 =	sld [smem:$0x3FFD];
	_ =	sdelay $0x3  }
0x96: {  	_ =	strace s4  }
0x97: {  	_ =	strace $0x8FFFFFFF  }
0x98: {  	s17 =	sld [smem:$0x3FDB];
	_ =	sdelay $0x1  }
0x99: {  	s5 =	simm.s32 $_scs_section_size  }
0x9a: {  	s6 =	simm.s32 $_size__tile_overlayer_lowered;
	s7 =	simm.s32 $_tile_overlayer_lowered  }
0x9b: {  	s20 =	simm.s32 $0x1BFF;
	s19 =	sshll.u32 s7, $0x1;
	s4 =	sadd.s32 s5, s17  }
0x9c: {  	s8 =	simm.s32 $0x0;
	s18 =	sshll.u32 s6, $0x1;
	s6 =	sadd.s32 s19, s4  }
0x9d: {  	[timem:s8], [sflag:s20] =	dma.local [hbm:s6], s18  }
0x9e: {  	_ =	swait.ge [sflag:s20], s18  }
0x9f: {  	s5 =	ssub.s32 $0x0, s18;
	[sflag:s20] =	ssyncset.done $0x0  }
0xa0: {  	[sflag:s20] =	ssyncadd.s32 s5;
	_ =	sdelay $0x1  }
0xa1: {  	s21 =	simm.s32 $0x1B8B  }
0xa2: {  	_ =	swait.ge [sflag:s21], $0x1  }
0xa3: {  	[sflag:s21] =	ssyncset.done $0x0  }
0xa4: {  	s23 =	simm.s32 $0x1B8E;
	s22 =	sld [smem:$0x3FFE];
	[sflag:s21] =	ssyncadd.s32 $0xFFFFFFFF  }
0xa5: {  	s24 =	simm.s32 $execute0_lowered;
	[smem:$0x3FD2] =	sst s23  }
0xa6: {  	s6 =	sshll.u32 s24, $0x1;
	_ =	strace $0x80000046;
	[dreg:$0x1] =	wrdreg $0xFFFFFFFF  }
0xa7: {  	s25 =	simm.s32 $_size_execute0_lowered;
	s4 =	sadd.s32 s4, s6;
	[dreg:$0x0] =	wrdreg $0x0  }
0xa8: {  	s6 =	sshll.u32 s25, $0x1;
	[dreg:$0x2] =	wrdreg s4  }
0xa9: {  	[dreg:$0x3] =	wrdreg s6  }
0xaa: {  	[dreg:$0x4] =	wrdreg $0xC0  }
0xab: {  	_ =	task [dreg:s8], $0x5FFFF  }
0xac: {  	[dreg:$0x1] =	wrdreg $0xFFFFFFFF  }
0xad: {  	[dreg:$0x0] =	wrdreg $0x60  }
0xae: {  	[dreg:$0x2] =	wrdreg s0  }
0xaf: {  	[dreg:$0x3] =	wrdreg s16  }
0xb0: {  	[dreg:$0x4] =	wrdreg s2  }
0xb1: {  	[dreg:$0x5] =	wrdreg s3  }
0xb2: {  	[dreg:$0x6] =	wrdreg s22  }
0xb3: {  	[dreg:$0x7] =	wrdreg $0x9  }
0xb4: {  	_ =	task.clear_ibuf [dreg:s8], $0x8FFFF;
	_ =	strace $0x90000046  }
0xb5: {  	s26 =	simm.s32 $0x9;
	_ =	strace $0x80000048  }
0xb6: {  	_ =	swait.ge [sflag:s26], $0x1  }
0xb7: {  	[sflag:s26] =	ssyncadd.s32 $0xFFFFFFFF  }
0xb8: {  	_ =	strace $0x90000048  }
0xb9: {  	_ =	sfence  }
0xba: {  	s28 =	sld [smem:$0x0];
	_ =	sdelay $0x1  }
0xbb: {  	s29 =	srdreg.scid  }
0xbc: {  	s30 =	sshll.u32 s29, $0xD;
	s31 =	sshrl.u32 s29, $0x2  }
0xbd: {  	s1 =	sand.u32 $0x1, s29;
	s2 =	sand.u32 $0x4000, s30;
	s0 =	sadd.s32 s31, s28  }
0xbe: {  	s1 =	sor.u32 s2, s1;
	s0 =	sshll.u32 s0, $0x11  }
0xbf: {  	s0 =	sor.u32 s0, s1  }
0xc0: {  	s0 =	sadd.s32 $0x8F2B, s0  }
0xc1: {  	[sflag:s0] =	ssyncadd.remote.s32 $0x1  }
0xc2: {  	_ =	sfence.sel $0xFFFF  }
0xc3: {  	[dreg:$0x0] =	wrdreg $0xFFFFFFFF;
	(pc) =	sbr.abs _section_cstart, $3  }
0xc4: {  	[dreg:$0x1] =	wrdreg $0xFFFFFFFF  }
0xc5: {  	_ =	task.clear_ibuf [dreg:s8], $0x2FFFF;
	_ =	strace $0x9FFFFFFF  }
0xc6: {  	(tm) =	ssettm $0x7FFFFFFF  }
0xc7: {  	_ =	shalt  }
tec
execute0_lowered:
.L_overlay_start_1:
0x0: {  	(tag) =	ssettag $0x1  }
0x1: {  	s4 =	rddreg [dreg:$0x0]  }
0x2: {  	s5 =	rddreg [dreg:$0x1]  }
0x3: {  	s6 =	rddreg [dreg:$0x2]  }
0x4: {  	s1 =	rddreg [dreg:$0x3]  }
0x5: {  	s3 =	rddreg [dreg:$0x4];
	s7 =	simm.s32 $0x0;
	s2 =	stileid.u32  }
0x6: {  	[smem:$0x7FF] =	sst s7;
	s8 =	sshll.u32 s2, $0x7  }
0x7: {  	s0 =	rddreg [dreg:$0x5];
	_ =	strace $0x80000047;
	s4 =	sadd.s32 s4, s8  }
0x8: {  	[tilespmem:s7], [sflag:$0x1] =	stream.linear.gather [hbm4b:s4+s7], $0x400, $0x38;
	[tilespmem:$0x9580] =	vst v63  }
0x9: {  	s26 =	simm.s32 $0x400;
	s25 =	sadd.s32 s5, s8  }
0xa: {  	[tilespmem:s26], [sflag:$0x1] =	stream.linear.gather [hbm4b:s25+s7], $0x400, $0x38;
	[tilespmem:$0x9580] =	vst v63  }
0xb: {  	s29 =	simm.s32 $0x800;
	s28 =	sadd.s32 s6, s8  }
0xc: {  	v0 =	vimm.f32 $0.0e+00;
	[tilespmem:s29], [sflag:$0x1] =	stream.linear.gather [hbm4b:s28+s7], $0x400, $0x38;
	[tilespmem:$0x9580] =	vst v63  }
0xd: {  	[tilespmem:$0xC00] =	vst v0  }
0xe: {  	[tilespmem:$0xC80] =	vst v0  }
0xf: {  	[tilespmem:$0xC10] =	vst v0  }
0x10: {  	[tilespmem:$0xC90] =	vst v0  }
0x11: {  	[tilespmem:$0xC20] =	vst v0  }
0x12: {  	[tilespmem:$0xCA0] =	vst v0  }
0x13: {  	[tilespmem:$0xC30] =	vst v0  }
0x14: {  	[tilespmem:$0xCB0] =	vst v0  }
0x15: {  	[tilespmem:$0xC40] =	vst v0  }
0x16: {  	[tilespmem:$0xCC0] =	vst v0  }
0x17: {  	[tilespmem:$0xC50] =	vst v0  }
0x18: {  	[tilespmem:$0xCD0] =	vst v0  }
0x19: {  	[tilespmem:$0xC60] =	vst v0  }
0x1a: {  	[tilespmem:$0xCE0] =	vst v0  }
0x1b: {  	[tilespmem:$0xC70] =	vst v0  }
0x1c: {  	s30 =	simm.s32 $0x1;
	[tilespmem:$0xCF0] =	vst v0  }
0x1d: {  	_ =	swait.ge [sflag:s30], $0x400  }
0x1e: {  	[sflag:s30] =	ssyncset.done $0x0  }
0x1f: {  	[sflag:s30] =	ssyncadd.s32 $0xFFFFFC00  }
0x20: {  	_ =	swait.ge [sflag:s30], $0x400  }
0x21: {  	[sflag:s30] =	ssyncset.done $0x0  }
0x22: {  	[sflag:s30] =	ssyncadd.s32 $0xFFFFFC00  }
0x23: {  	_ =	swait.ge [sflag:s30], $0x400  }
0x24: {  	[sflag:s30] =	ssyncset.done $0x0  }
0x25: {  	s31 =	simm.s32 $0x0;
	[sflag:s30] =	ssyncadd.s32 $0xFFFFFC00  }
0x26: {  	v0 =	vld [tilespmem:s31+$0x0]  }
0x27: {  	v1 =	vld [tilespmem:s31+$0x400]  }
0x28: {  	v2 =	vld [tilespmem:s31+$0x800];
	_ =	sdelay $0x3  }
0x29: {  	v0 =	vsub.f32 v0, v1;
	_ =	sdelay $0x1  }
0x2a: {  	v1 =	vmul.f32 v0, v0  }
0x2b: {  	s4 =	simm.s32 $0xC00  }
0x2c: {  	s5 =	simm.s32 $0xC80;
	v0 =	vimm.f32 $1.000000000e+00;
	[tilespmem:v2+s4+$0x0] =	vst.idx.add.f32.msk $0xffff, v1  }
0x2d: {  	[tilespmem:v2+s5+$0x0] =	vst.idx.add.f32.msk $0xffff, v0  }
0x2e: {  	v1 =	vld [tilespmem:s31+$0x10]  }
0x2f: {  	v2 =	vld [tilespmem:s31+$0x410]  }
0x30: {  	v3 =	vld [tilespmem:s31+$0x810];
	_ =	sdelay $0x3  }
0x31: {  	v1 =	vsub.f32 v1, v2;
	_ =	sdelay $0x1  }
0x32: {  	v1 =	vmul.f32 v1, v1;
	_ =	sdelay $0x1  }
0x33: {  	[tilespmem:v3+s4+$0x0] =	vst.idx.add.f32.msk $0xffff, v1  }
0x34: {  	[tilespmem:v3+s5+$0x0] =	vst.idx.add.f32.msk $0xffff, v0  }
0x35: {  	v1 =	vld [tilespmem:s31+$0x20]  }
0x36: {  	v2 =	vld [tilespmem:s31+$0x420]  }
0x37: {  	v3 =	vld [tilespmem:s31+$0x820];
	_ =	sdelay $0x3  }
0x38: {  	v1 =	vsub.f32 v1, v2;
	_ =	sdelay $0x1  }
0x39: {  	v1 =	vmul.f32 v1, v1;
	_ =	sdelay $0x1  }
0x3a: {  	[tilespmem:v3+s4+$0x0] =	vst.idx.add.f32.msk $0xffff, v1  }
0x3b: {  	[tilespmem:v3+s5+$0x0] =	vst.idx.add.f32.msk $0xffff, v0  }
0x3c: {  	v2 =	vld [tilespmem:s31+$0x30]  }
0x3d: {  	v3 =	vld [tilespmem:s31+$0x430]  }
0x3e: {  	s3 =	sadd.s32 $0x800, s3;
	s6 =	simm.s32 $0x100;
	v1 =	vld [tilespmem:s31+$0x830]  }
.LBB2_1:
0x3f: {  	_ =	sdelay $0x2  }
0x40: {  	p0 =	sne.s32 s6, $0xF00;
	s7 =	smov.u32 s6;
	s6 =	sadd.s32 $0x100, s6;
	v2 =	vsub.f32 v2, v3  }
0x41: {  	_ = 	snop  }
0x42: {  	v2 =	vmul.f32 v2, v2;
	_ =	sdelay $0x1  }
0x43: {  	s7 =	sshra.s32 s7, $0x2;
	[tilespmem:v1+s4+$0x0] =	vst.idx.add.f32.msk $0xffff, v2  }
0x44: {  	[tilespmem:v1+s5+$0x0] =	vst.idx.add.f32.msk $0xffff, v0  }
0x45: {  	v1 =	vld [tilespmem:s7+$0x0]  }
0x46: {  	v2 =	vld [tilespmem:s7+$0x400]  }
0x47: {  	v3 =	vld [tilespmem:s7+$0x800];
	_ =	sdelay $0x3  }
0x48: {  	v1 =	vsub.f32 v1, v2;
	_ =	sdelay $0x1  }
0x49: {  	v1 =	vmul.f32 v1, v1;
	_ =	sdelay $0x1  }
0x4a: {  	[tilespmem:v3+s4+$0x0] =	vst.idx.add.f32.msk $0xffff, v1  }
0x4b: {  	[tilespmem:v3+s5+$0x0] =	vst.idx.add.f32.msk $0xffff, v0  }
0x4c: {  	v1 =	vld [tilespmem:s7+$0x10]  }
0x4d: {  	v2 =	vld [tilespmem:s7+$0x410]  }
0x4e: {  	v3 =	vld [tilespmem:s7+$0x810];
	_ =	sdelay $0x3  }
0x4f: {  	v1 =	vsub.f32 v1, v2;
	_ =	sdelay $0x1  }
0x50: {  	v1 =	vmul.f32 v1, v1;
	_ =	sdelay $0x1  }
0x51: {  	[tilespmem:v3+s4+$0x0] =	vst.idx.add.f32.msk $0xffff, v1  }
0x52: {  	[tilespmem:v3+s5+$0x0] =	vst.idx.add.f32.msk $0xffff, v0  }
0x53: {  	v1 =	vld [tilespmem:s7+$0x20]  }
0x54: {  	v2 =	vld [tilespmem:s7+$0x420]  }
0x55: {  	v3 =	vld [tilespmem:s7+$0x820];
	_ =	sdelay $0x3  }
0x56: {  	v1 =	vsub.f32 v1, v2;
	_ =	sdelay $0x1  }
0x57: {  	v1 =	vmul.f32 v1, v1;
	_ =	sdelay $0x1  }
.Ltmp0:
0x58: {  	[tilespmem:v3+s4+$0x0] =	vst.idx.add.f32.msk $0xffff, v1;
	(pc) =	sbr.rel @p0 .LBB2_1-.Ltmp0, $4  }
0x59: {  	[tilespmem:v3+s5+$0x0] =	vst.idx.add.f32.msk $0xffff, v0  }
0x5a: {  	v2 =	vld [tilespmem:s7+$0x30]  }
0x5b: {  	v3 =	vld [tilespmem:s7+$0x430]  }
0x5c: {  	v1 =	vld [tilespmem:s7+$0x830]  }
0x5d: {  	_ =	sdelay $0x3  }
0x5e: {  	v2 =	vsub.f32 v2, v3;
	_ =	sdelay $0x1  }
0x5f: {  	v2 =	vmul.f32 v2, v2;
	_ =	sdelay $0x1  }
0x60: {  	[tilespmem:v1+s4+$0x0] =	vst.idx.add.f32.msk $0xffff, v2  }
0x61: {  	[tilespmem:v1+s5+$0x0] =	vst.idx.add.f32.msk $0xffff, v0  }
0x62: {  	v0 =	vld [tilespmem:$0xC00]  }
0x63: {  	v1 =	vld [tilespmem:$0xC80]  }
0x64: {  	v2 =	vld [tilespmem:$0xC10]  }
0x65: {  	v52 =	vld [tilespmem:$0xC90]  }
0x66: {  	v4 =	vld [tilespmem:$0xC20]  }
0x67: {  	v53 =	vld [tilespmem:$0xCA0];
	[tilespmem:$0xD00] =	vst v0  }
0x68: {  	v54 =	vld [tilespmem:$0xC30];
	[tilespmem:$0x1100] =	vst v1  }
0x69: {  	v55 =	vld [tilespmem:$0xCB0];
	[tilespmem:$0xD80] =	vst v2  }
0x6a: {  	v56 =	vld [tilespmem:$0xC40];
	[tilespmem:$0x1180] =	vst v52  }
0x6b: {  	v57 =	vld [tilespmem:$0xCC0];
	[tilespmem:$0xE00] =	vst v4  }
0x6c: {  	v58 =	vld [tilespmem:$0xC50];
	[tilespmem:$0x1200] =	vst v53  }
0x6d: {  	v59 =	vld [tilespmem:$0xCD0];
	[tilespmem:$0xE80] =	vst v54  }
0x6e: {  	v60 =	vld [tilespmem:$0xC60];
	[tilespmem:$0x1280] =	vst v55  }
0x6f: {  	v61 =	vld [tilespmem:$0xCE0];
	[tilespmem:$0xF00] =	vst v56  }
0x70: {  	v62 =	vld [tilespmem:$0xC70];
	[tilespmem:$0x1300] =	vst v57  }
0x71: {  	v63 =	vld [tilespmem:$0xCF0];
	[tilespmem:$0xF80] =	vst v58  }
0x72: {  	[tilespmem:$0x1380] =	vst v59  }
0x73: {  	[tilespmem:$0x1000] =	vst v60  }
0x74: {  	[tilespmem:$0x1400] =	vst v61  }
0x75: {  	s30 =	sshll.u32 s2, $0x8;
	s6 =	simm.s32 $0xD00;
	[tilespmem:$0x1080] =	vst v62  }
0x76: {  	s31 =	sadd.s32 s3, s30;
	s4 =	simm.s32 $0x0;
	s5 =	simm.s32 $0x2;
	[tilespmem:$0x1480] =	vst v63  }
0x77: {  	[hbm4b:s31+s4] =	stream.linear.scatter [tilespmem:s6], [sflag:$0x2], $0x800, $0x38;
	[tilespmem:$0x9580] =	vst v63  }
0x78: {  	_ =	swait.ge [sflag:s5], $0x800  }
0x79: {  	[sflag:s5] =	ssyncset.done $0x0  }
0x7a: {  	[sflag:s5] =	ssyncadd.s32 $0xFFFFF800  }
0x7b: {  	p0 =	sne.s32 s2, $0x0;
	[bflag:$0x0] =	sbarrier.arrive $0xFFFF  }
0x7c: {  	_ =	sfence.sel @p0 $0x180000  }
0x7d: {  	[bflag:$0x0] =	sbarrier.arrive @p0 $0xFFFF  }
0x7e: {  	_ =	strace @p0 $0x90000047  }
0x7f: {  	[bflag:$0x2] =	sbarrier.arrive @p0 $0xFFFF  }
0x80: {  	_ =	shalt @p0  }
.LBB2_3:
0x81: {  	s2 =	simm.s32 $0x1500  }
0x82: {  	[tilespmem:s2], [sflag:$0x2] =	stream.linear.gather [hbm4b:s3+s4], $0x8000, $0x38;
	[tilespmem:$0x9580] =	vst v63  }
0x83: {  	_ =	swait.ge [sflag:s5], $0x8000  }
0x84: {  	[sflag:s5] =	ssyncset.done $0x0  }
0x85: {  	s2 =	simm.s32 $0x0;
	[sflag:s5] =	ssyncadd.s32 $0xFFFF8000  }
0x86: {  	v0 =	vld [tilespmem:s2+$0x1900];
	_ =	sdelay $0x1  }
0x87: {  	v1 =	vld [tilespmem:s2+$0x2100];
	_ =	sdelay $0x1  }
0x88: {  	v2 =	vld [tilespmem:s2+$0x2900]  }
0x89: {  	v0 =	vadd.f32 $0.0e+00, v0  }
0x8a: {  	v3 =	vld [tilespmem:s2+$0x3100]  }
0x8b: {  	v0 =	vadd.f32 v1, v0  }
0x8c: {  	v1 =	vld [tilespmem:s2+$0x3900]  }
0x8d: {  	v0 =	vadd.f32 v2, v0  }
0x8e: {  	v2 =	vld [tilespmem:s2+$0x4100]  }
0x8f: {  	v4 =	vld [tilespmem:s2+$0x1500];
	v0 =	vadd.f32 v3, v0  }
0x90: {  	v3 =	vld [tilespmem:s2+$0x4900]  }
0x91: {  	v5 =	vld [tilespmem:s2+$0x1D00];
	v0 =	vadd.f32 v1, v0  }
0x92: {  	v1 =	vld [tilespmem:s2+$0x5100]  }
0x93: {  	v6 =	vld [tilespmem:s2+$0x2500];
	v0 =	vadd.f32 v2, v0  }
0x94: {  	v4 =	vadd.f32 $0.0e+00, v4;
	v2 =	vld [tilespmem:s2+$0x5900]  }
0x95: {  	v7 =	vld [tilespmem:s2+$0x2D00];
	v0 =	vadd.f32 v3, v0  }
0x96: {  	v4 =	vadd.f32 v5, v4;
	v3 =	vld [tilespmem:s2+$0x6100]  }
0x97: {  	v5 =	vld [tilespmem:s2+$0x3500];
	v0 =	vadd.f32 v1, v0  }
0x98: {  	v4 =	vadd.f32 v6, v4;
	v1 =	vld [tilespmem:s2+$0x6900]  }
0x99: {  	v6 =	vld [tilespmem:s2+$0x3D00];
	v0 =	vadd.f32 v2, v0  }
0x9a: {  	v4 =	vadd.f32 v7, v4;
	v2 =	vld [tilespmem:s2+$0x7100]  }
0x9b: {  	v8 =	vld [tilespmem:s2+$0x4500];
	v0 =	vadd.f32 v3, v0  }
0x9c: {  	v9 =	vld [tilespmem:s2+$0x7900];
	v3 =	vadd.f32 v5, v4  }
0x9d: {  	v5 =	vld [tilespmem:s2+$0x4D00];
	v0 =	vadd.f32 v1, v0  }
0x9e: {  	v1 =	vld [tilespmem:s2+$0x8100];
	v3 =	vadd.f32 v6, v3  }
0x9f: {  	v7 =	vld [tilespmem:s2+$0x8900];
	v0 =	vadd.f32 v2, v0  }
0xa0: {  	v4 =	vld [tilespmem:s2+$0x5500];
	v2 =	vadd.f32 v8, v3  }
0xa1: {  	v6 =	vld [tilespmem:s2+$0x9100];
	v9 =	vadd.f32 v9, v0  }
0xa2: {  	v3 =	vld [tilespmem:s2+$0x5D00];
	v0 =	vimm.f32 $0.0e+00;
	v8 =	vadd.f32 v5, v2  }
0xa3: {  	s3 =	simm.s32 $0x80;
	s4 =	simm.s32 $0x400;
	v5 =	vld [tilespmem:s2+$0x6500];
	v2 =	vimm.f32 $0.0e+00;
	v9 =	vadd.f32 v1, v9;
	v1 =	vimm.f32 $0.0e+00  }
.LBB2_4:
0xa4: {  	p0 =	sne.s32 s4, $0xE00;
	v10 =	vld [tilespmem:s3+$0x1900]  }
0xa5: {  	v4 =	vadd.f32 v4, v8;
	v8 =	vld [tilespmem:s2+$0x6D00];
	v7 =	vadd.f32 v7, v9  }
0xa6: {  	v9 =	vld [tilespmem:s3+$0x2100]  }
0xa7: {  	v3 =	vadd.f32 v3, v4;
	v4 =	vld [tilespmem:s2+$0x7500];
	v6 =	vadd.f32 v6, v7  }
0xa8: {  	v7 =	vld [tilespmem:s3+$0x2900]  }
0xa9: {  	v10 =	vadd.f32 $0.0e+00, v10;
	v3 =	vadd.f32 v5, v3;
	v5 =	vld [tilespmem:s2+$0x7D00];
	vm0 =	vgt.f32 v6, $0.0e+00  }
0xaa: {  	v11 =	vld [tilespmem:s3+$0x3100];
	v6 =	vnsel vm0, $0x3F800000, v6;
	v12 =	vsel vm0, $0x3F800000, v0  }
0xab: {  	v9 =	vadd.f32 v9, v10;
	v3 =	vadd.f32 v8, v3;
	v8 =	vld [tilespmem:s2+$0x8500];
	(erf) = vrcp.f32 v6  }
0xac: {  	v1 =	vadd.f32 v12, v1;
	v6 =	vld [tilespmem:s3+$0x3900]  }
0xad: {  	v7 =	vadd.f32 v7, v9;
	v3 =	vadd.f32 v4, v3;
	v4 =	vld [tilespmem:s2+$0x8D00];
	s2 =	smov.u32 s3  }
0xae: {  	v9 =	vld [tilespmem:s2+$0x4100]  }
0xaf: {  	v10 =	vld [tilespmem:s2+$0x1500];
	v7 =	vadd.f32 v11, v7;
	v3 =	vadd.f32 v5, v3  }
0xb0: {  	v5 =	vld [tilespmem:s2+$0x4900]  }
0xb1: {  	v11 =	vld [tilespmem:s2+$0x1D00];
	v6 =	vadd.f32 v6, v7;
	v3 =	vadd.f32 v8, v3  }
0xb2: {  	v7 =	vld [tilespmem:s2+$0x5100]  }
0xb3: {  	v8 =	vld [tilespmem:s2+$0x2500];
	v6 =	vadd.f32 v9, v6;
	v3 =	vadd.f32 v4, v3  }
0xb4: {  	v4 =	vld [tilespmem:s2+$0x5900];
	v9 =	vpop (erf)  }
0xb5: {  	v10 =	vadd.f32 $0.0e+00, v10;
	v12 =	vld [tilespmem:s2+$0x2D00];
	v5 =	vadd.f32 v5, v6;
	v3 =	vmul.f32 v9, v3  }
0xb6: {  	v6 =	vld [tilespmem:s2+$0x6100]  }
0xb7: {  	v9 =	vadd.f32 v11, v10;
	v10 =	vld [tilespmem:s2+$0x3500];
	v5 =	vadd.f32 v7, v5;
	v3 =	vnsel vm0, $0x0, v3  }
0xb8: {  	v7 =	vld [tilespmem:s2+$0x6900];
	v2 =	vadd.f32 v3, v2  }
0xb9: {  	v3 =	vadd.f32 v8, v9;
	v8 =	vld [tilespmem:s2+$0x3D00];
	v4 =	vadd.f32 v4, v5  }
0xba: {  	v5 =	vld [tilespmem:s2+$0x7100]  }
0xbb: {  	v3 =	vadd.f32 v12, v3;
	v9 =	vld [tilespmem:s2+$0x4500];
	v4 =	vadd.f32 v6, v4  }
0xbc: {  	v6 =	vld [tilespmem:s2+$0x7900]  }
0xbd: {  	v3 =	vadd.f32 v10, v3;
	v10 =	vld [tilespmem:s2+$0x4D00];
	v7 =	vadd.f32 v7, v4  }
0xbe: {  	v11 =	vld [tilespmem:s2+$0x8100]  }
.Ltmp1:
0xbf: {  	v3 =	vadd.f32 v8, v3;
	v4 =	vld [tilespmem:s2+$0x5500];
	v5 =	vadd.f32 v5, v7;
	(pc) =	sbr.rel @p0 .LBB2_4-.Ltmp1, $4  }
0xc0: {  	v7 =	vld [tilespmem:s2+$0x8900]  }
0xc1: {  	v8 =	vadd.f32 v9, v3;
	v3 =	vld [tilespmem:s2+$0x5D00];
	v9 =	vadd.f32 v6, v5  }
0xc2: {  	v6 =	vld [tilespmem:s2+$0x9100]  }
0xc3: {  	s3 =	sshra.s32 s4, $0x2;
	s4 =	sadd.s32 $0x200, s4;
	v8 =	vadd.f32 v10, v8;
	v5 =	vld [tilespmem:s2+$0x6500];
	v9 =	vadd.f32 v11, v9  }
0xc4: {  	v10 =	vld [tilespmem:s3+$0x1900];
	_ =	sdelay $0x1  }
0xc5: {  	v11 =	vld [tilespmem:s3+$0x2100];
	_ =	sdelay $0x1  }
0xc6: {  	v12 =	vld [tilespmem:s3+$0x2900]  }
0xc7: {  	v10 =	vadd.f32 $0.0e+00, v10  }
0xc8: {  	v13 =	vld [tilespmem:s3+$0x3100]  }
0xc9: {  	v10 =	vadd.f32 v11, v10  }
0xca: {  	v22 =	vld [tilespmem:s3+$0x3900]  }
0xcb: {  	v10 =	vadd.f32 v12, v10  }
0xcc: {  	v23 =	vld [tilespmem:s3+$0x4100]  }
0xcd: {  	v14 =	vld [tilespmem:s3+$0x1500];
	v10 =	vadd.f32 v13, v10  }
0xce: {  	v24 =	vld [tilespmem:s3+$0x4900]  }
0xcf: {  	v15 =	vld [tilespmem:s3+$0x1D00];
	v10 =	vadd.f32 v22, v10  }
0xd0: {  	v25 =	vld [tilespmem:s3+$0x5100]  }
0xd1: {  	v16 =	vld [tilespmem:s3+$0x2500];
	v10 =	vadd.f32 v23, v10  }
0xd2: {  	v26 =	vld [tilespmem:s3+$0x5900]  }
0xd3: {  	v17 =	vld [tilespmem:s3+$0x2D00];
	v14 =	vadd.f32 $0.0e+00, v14;
	v10 =	vadd.f32 v24, v10  }
0xd4: {  	v27 =	vld [tilespmem:s3+$0x6100]  }
0xd5: {  	v28 =	vld [tilespmem:s3+$0x3500];
	v14 =	vadd.f32 v15, v14;
	v10 =	vadd.f32 v25, v10  }
0xd6: {  	v29 =	vld [tilespmem:s3+$0x6900]  }
0xd7: {  	v30 =	vld [tilespmem:s3+$0x3D00];
	v14 =	vadd.f32 v16, v14;
	v10 =	vadd.f32 v26, v10  }
0xd8: {  	v31 =	vld [tilespmem:s3+$0x7100]  }
0xd9: {  	v32 =	vld [tilespmem:s3+$0x4500];
	v14 =	vadd.f32 v17, v14;
	v10 =	vadd.f32 v27, v10  }
0xda: {  	v33 =	vld [tilespmem:s3+$0x7900]  }
0xdb: {  	v34 =	vld [tilespmem:s3+$0x4D00];
	v14 =	vadd.f32 v28, v14;
	v10 =	vadd.f32 v29, v10  }
0xdc: {  	v35 =	vld [tilespmem:s3+$0x8100]  }
0xdd: {  	v36 =	vld [tilespmem:s3+$0x5500];
	v14 =	vadd.f32 v30, v14;
	v10 =	vadd.f32 v31, v10  }
0xde: {  	v37 =	vld [tilespmem:s3+$0x8900]  }
0xdf: {  	v38 =	vld [tilespmem:s3+$0x5D00];
	v14 =	vadd.f32 v32, v14;
	v10 =	vadd.f32 v33, v10  }
0xe0: {  	v39 =	vld [tilespmem:s3+$0x9100];
	v4 =	vadd.f32 v4, v8;
	v7 =	vadd.f32 v7, v9  }
0xe1: {  	v41 =	vld [tilespmem:s2+$0x6D00];
	v40 =	vadd.f32 v34, v14;
	v10 =	vadd.f32 v35, v10  }
0xe2: {  	v43 =	vld [tilespmem:s3+$0x6500];
	v3 =	vadd.f32 v3, v4;
	v42 =	vadd.f32 v6, v7  }
0xe3: {  	v46 =	vld [tilespmem:s2+$0x7500];
	v44 =	vadd.f32 v36, v40;
	v45 =	vadd.f32 v37, v10  }
0xe4: {  	v47 =	vld [tilespmem:s3+$0x6D00];
	v3 =	vadd.f32 v5, v3  }
0xe5: {  	v48 =	vld [tilespmem:s2+$0x7D00];
	vm0 =	vgt.f32 v42, $0.0e+00;
	v7 =	vadd.f32 v38, v44;
	v8 =	vadd.f32 v39, v45  }
0xe6: {  	v49 =	vld [tilespmem:s3+$0x7500];
	v4 =	vnsel vm0, $0x3F800000, v42;
	v3 =	vadd.f32 v41, v3  }
0xe7: {  	v50 =	vld [tilespmem:s2+$0x8500];
	(erf) = vrcp.f32 v4;
	v51 =	vadd.f32 v43, v7;
	vm1 =	vgt.f32 v8, $0.0e+00  }
0xe8: {  	v52 =	vld [tilespmem:s3+$0x7D00];
	v53 =	vnsel vm1, $0x3F800000, v8  }
0xe9: {  	v54 =	vld [tilespmem:s2+$0x8D00];
	v3 =	vadd.f32 v46, v3;
	v4 =	vadd.f32 v47, v51;
	(erf) = vrcp.f32 v53  }
0xea: {  	v55 =	vld [tilespmem:s3+$0x8500]  }
0xeb: {  	v3 =	vadd.f32 v48, v3;
	v4 =	vadd.f32 v49, v4  }
0xec: {  	v56 =	vld [tilespmem:s3+$0x8D00]  }
0xed: {  	v3 =	vadd.f32 v50, v3;
	v4 =	vadd.f32 v52, v4;
	_ =	sdelay $0x1  }
0xee: {  	v3 =	vadd.f32 v54, v3;
	v4 =	vadd.f32 v55, v4  }
0xef: {  	v57 =	vpop (erf)  }
0xf0: {  	v3 =	vmul.f32 v57, v3;
	v4 =	vadd.f32 v56, v4  }
0xf1: {  	v58 =	vpop (erf)  }
0xf2: {  	v3 =	vnsel vm0, $0x0, v3;
	v4 =	vmul.f32 v58, v4  }
0xf3: {  	v59 =	vsel vm0, $0x3F800000, v0;
	v2 =	vadd.f32 v3, v2  }
0xf4: {  	v1 =	vadd.f32 v59, v1;
	v60 =	vnsel vm1, $0x0, v4  }
0xf5: {  	v61 =	vsel vm1, $0x3F800000, v0;
	v2 =	vadd.f32 v60, v2  }
0xf6: {  	v0 =	vadd.f32 v61, v1  }
0xf7: {  	(xrf2) =	vadd.scan.msk.f32 $0xffff, v2  }
0xf8: {  	(xrf2) =	vadd.scan.msk.f32 $0xffff, v0;
	_ =	sdelay $0x8  }
0xf9: {  	v62, _, _ =	vpop (xrf2)  }
0xfa: {  	v63, _, _ =	vpop (xrf2)  }
0xfb: {  	v1 =	vbroadcast v63, $0xF;
	_ =	sdelay $0x1  }
0xfc: {  	(erf) = vrcp.f32 v1;
	_ =	sdelay $0x7  }
0xfd: {  	v0 =	vbroadcast v62, $0xF  }
0xfe: {  	v1 =	vpop (erf)  }
0xff: {  	v0 =	vmul.f32 v1, v0;
	_ =	sdelay $0x1  }
0x100: {  	s29 =	simm.s32 $0x0;
	s30 =	simm.s32 $0x9500;
	s31 =	simm.s32 $0x2;
	[tilespmem:$0x9500] =	vst v0  }
0x101: {  	[hbm4b:s1+s29] =	stream.linear.scatter [tilespmem:s30], [sflag:$0x2], $0x80, $0x38;
	[tilespmem:$0x9580] =	vst v63  }
0x102: {  	_ =	swait.ge [sflag:s31], $0x80  }
0x103: {  	[sflag:s31] =	ssyncset.done $0x0  }
0x104: {  	[sflag:s31] =	ssyncadd.s32 $0xFFFFFF80  }
0x105: {  	_ =	sfence.sel $0x180000  }
0x106: {  	[bflag:$0x0] =	sbarrier.arrive $0xFFFF  }
0x107: {  	_ =	strace $0x90000047  }
0x108: {  	s0 =	sadd.s32 $0x100000, s0;
	[bflag:$0x2] =	sbarrier.arrive $0xFFFF  }
0x109: {  	[sflag:s0] =	ssyncadd.tile.s32 $0x1;
	_ =	shalt  }
.Lfunc_end2:
_tile_overlayer_lowered:
.L_overlay_start_2:
0x10a: {  	(tag) =	ssettag $0x2  }
0x10b: {  	s0 =	rddreg [dreg:$0x0];
	s2 =	stileid.u32  }
0x10c: {  	s1 =	rddreg [dreg:$0x1];
	p0 =	sne.s32 s2, $0x0  }
0x10d: {  	s3 =	rddreg [dreg:$0x2];
	[bflag:$0x3] =	sbarrier.arrive $0xFFFF;
	s2 =	simm.s32 @!p0 $0x1C02  }
0x10e: {  	[timem:s3], [sflag:s2] =	dma.local @!p0 [hbm:s0], s1  }
0x10f: {  	s0 =	simm.s32 @!p0 $0x2  }
0x110: {  	_ =	swait.ge @!p0 [sflag:s0], s1  }
0x111: {  	s1 =	ssub.s32 @!p0 $0x0, s1;
	[sflag:s0] =	ssyncset.done @!p0 $0x0  }
0x112: {  	[sflag:s0] =	ssyncadd.s32 @!p0 s1  }
0x113: {  	[bflag:$0x3] =	sbarrier.arrive $0xFFFF  }
0x114: {  	_ =	shalt  }

</sc_bundles>
